<compile_context>
chip_gen: v7x
topology: tpu7x:2x2x1
jax: 0.10.2.dev20260603
libtpu: 0.0.44.dev20260713+nightly
codegen_flags: <defaults>
</compile_context>

<pallas_src>
import functools

import jax
import jax.numpy as jnp
from jax import lax
from jax.experimental import pallas as pl
from jax.experimental.pallas import tpu as pltpu
from jax.experimental.pallas import tpu_sc as plsc

B, L, V, D, H = 4096, 50, 100000, 128, 512

NC, NS = 2, 16
NW = NC * NS
SPT = B // NW
ROWS = 2 * L
CHUNKS = SPT // 2
SC_SAMPLES = NS * SPT


def _pooled_sum_sc(ids2, table, dst_idx, zeros):
    mesh = plsc.VectorSubcoreMesh(core_axis_name="c", subcore_axis_name="s")

    @functools.partial(
        pl.kernel,
        mesh=mesh,
        out_type=jax.ShapeDtypeStruct((B, D), jnp.float32),
        scratch_types=[
            pltpu.VMEM((CHUNKS, ROWS), jnp.int32),
            pltpu.VMEM((CHUNKS, ROWS), jnp.int32),
            pltpu.VMEM((ROWS, D), jnp.float32),
            pltpu.VMEM((ROWS, D), jnp.float32),
            pltpu.VMEM((ROWS, D), jnp.float32),
            pltpu.VMEM((ROWS, D), jnp.float32),
            pltpu.VMEM_SHARED((SC_SAMPLES, D), jnp.float32),
            pltpu.SemaphoreType.DMA,
            pltpu.SemaphoreType.DMA,
            pltpu.SemaphoreType.DMA,
            pltpu.SemaphoreType.DMA,
        ],
    )
    def k(ids_hbm, table_hbm, dst_hbm, zeros_hbm, out_hbm,
          ids_v, dst_v, buf_a, buf_b, buf_c, buf_d, acc,
          sem_a, sem_b, sem_c, sem_d):
        c = lax.axis_index("c")
        s = lax.axis_index("s")
        w = c * NS + s
        abase = s * SPT

        pltpu.sync_copy(ids_hbm.at[w], ids_v)
        pltpu.sync_copy(dst_hbm.at[s], dst_v)
        pltpu.sync_copy(zeros_hbm, acc.at[pl.ds(abase, SPT)])

        bufs = (buf_a, buf_b, buf_c, buf_d)
        sems = (sem_a, sem_b, sem_c, sem_d)
        NB = 4

        for q in range(NB):
            pltpu.async_copy(table_hbm.at[ids_v.at[q]], bufs[q], sems[q])

        def body(p, carry):
            j0 = NB * p
            for q in range(NB):
                pltpu.make_async_copy(
                    table_hbm.at[ids_v.at[j0 + q]], bufs[q], sems[q]).wait()
                pltpu.async_copy(
                    table_hbm.at[ids_v.at[j0 + q + NB]], bufs[q], sems[q])
            return carry

        lax.fori_loop(0, CHUNKS // NB - 1, body, 0)

        for q in range(NB):
            pltpu.make_async_copy(
                table_hbm.at[ids_v.at[CHUNKS - NB + q]], bufs[q], sems[q]).wait()

        pltpu.sync_copy(acc.at[pl.ds(abase, SPT)],
                        out_hbm.at[pl.ds(w * SPT, SPT)])

    return k(ids2, table, dst_idx, zeros)


BM = 512


def _mlp_tc(x, pooled_sum, w1a, w1b, b1, w2, b2):
    def body(x_ref, p_ref, w1a_ref, w1b_ref, b1_ref, w2_ref, b2_ref, o_ref):
        xb = x_ref[...]
        pb = p_ref[...] * (1.0 / L)
        z = jnp.dot(xb, w1a_ref[...], preferred_element_type=jnp.float32)
        z = z + jnp.dot(pb, w1b_ref[...], preferred_element_type=jnp.float32)
        z = jnp.maximum(z + b1_ref[...], 0.0)
        o = jnp.dot(z, w2_ref[...], preferred_element_type=jnp.float32)
        o_ref[...] = o + b2_ref[...]

    return pl.pallas_call(
        body,
        grid=(B // BM,),
        in_specs=[
            pl.BlockSpec((BM, D), lambda i: (i, 0)),
            pl.BlockSpec((BM, D), lambda i: (i, 0)),
            pl.BlockSpec((D, H), lambda i: (0, 0)),
            pl.BlockSpec((D, H), lambda i: (0, 0)),
            pl.BlockSpec((1, H), lambda i: (0, 0)),
            pl.BlockSpec((H, D), lambda i: (0, 0)),
            pl.BlockSpec((1, D), lambda i: (0, 0)),
        ],
        out_specs=pl.BlockSpec((BM, D), lambda i: (i, 0)),
        out_shape=jax.ShapeDtypeStruct((B, D), jnp.float32),
    )(x, pooled_sum, w1a, w1b, b1.reshape(1, H), w2, b2.reshape(1, D))


def kernel(x, ids, table, W1, b1, W2, b2):
    ids2 = ids.astype(jnp.int32).reshape(NW, CHUNKS, ROWS)
    dst_idx = (
        jnp.arange(NS, dtype=jnp.int32)[:, None] * SPT
        + jnp.repeat(jnp.arange(SPT, dtype=jnp.int32), L)[None, :]
    ).reshape(NS, CHUNKS, ROWS)
    zeros = jnp.zeros((SPT, D), jnp.float32)
    pooled_sum = _pooled_sum_sc(ids2, table, dst_idx, zeros)
    return _mlp_tc(x, pooled_sum, W1[:D], W1[D:], b1, W2, b2)

# --- scband reference (transcript-rebuilt; emitter-appended) ---
"""Pipeline reference for scband-simplex-model-id-embed-no-decode-31593779429618 (READ-ONLY COPY).

The authoritative reference and input builder live on the scoring server;
editing this copy changes nothing except your own understanding.
"""

import jax, jax.numpy as jnp
import numpy as np

B, L, V, D, H = 4096, 50, 100000, 128, 512

def setup_inputs(seed: int = 0) -> dict:
    key = jax.random.key(seed)
    ks = jax.random.split(key, 6)
    x = jax.random.normal(ks[0], (B, D), dtype=jnp.float32)
    ids = jax.random.randint(ks[1], (B, L), 0, V)
    table = jax.random.normal(ks[2], (V, D), dtype=jnp.float32) * 0.02
    W1 = jax.random.normal(ks[3], (2 * D, H), dtype=jnp.float32) * (1.0 / np.sqrt(2 * D))
    b1 = jnp.zeros((H,), dtype=jnp.float32)
    W2 = jax.random.normal(ks[4], (H, D), dtype=jnp.float32) * (1.0 / np.sqrt(H))
    b2 = jnp.zeros((D,), dtype=jnp.float32)
    return {"x": x, "ids": ids, "table": table, "W1": W1, "b1": b1, "W2": W2, "b2": b2}

def reference(x, ids, table, W1, b1, W2, b2):
    # IdEmbedder: embedding lookup of ids into table [V, D]
    h = jnp.take(table, ids, axis=0)          # [B, L, D] gather
    # core_model: mean-pool history embeddings, fuse with dense features x via 2-layer MLP
    pooled = jnp.mean(h, axis=1)              # [B, D]
    z = jnp.concatenate([x, pooled], axis=-1) # [B, 2D]
    z = jax.nn.relu(z @ W1 + b1)              # [B, H]
    out = z @ W2 + b2                         # [B, D]
    return out

if __name__ == "__main__":
    import jax
    _d = setup_inputs()
    print(jax.jit(kernel)(*tuple(_d.values())))

</pallas_src>

<mosaic_0001>
#map = affine_map<(d0, d1) -> (0, 0, 0)>
#map1 = affine_map<(d0, d1) -> (0, 0)>
module attributes {stable_mosaic.version = 14 : i64} {
  func.func @k(%arg0: i32, %arg1: i32, %arg2: memref<32x64x100xi32, #tpu.memory_space<hbm>>, %arg3: memref<100000x128xf32, #tpu.memory_space<hbm>>, %arg4: memref<16x64x100xi32, #tpu.memory_space<hbm>>, %arg5: memref<128x128xf32, #tpu.memory_space<hbm>>, %arg6: memref<4096x128xf32, #tpu.memory_space<hbm>>, %arg7: memref<64x100xi32, #tpu.memory_space<vmem>>, %arg8: memref<64x100xi32, #tpu.memory_space<vmem>>, %arg9: memref<100x128xf32, #tpu.memory_space<vmem>>, %arg10: memref<100x128xf32, #tpu.memory_space<vmem>>, %arg11: memref<100x128xf32, #tpu.memory_space<vmem>>, %arg12: memref<100x128xf32, #tpu.memory_space<vmem>>, %arg13: memref<2048x128xf32, #tpu.memory_space<vmem_shared>>, %arg14: memref<!tpu.dma_semaphore, #tpu.memory_space<semaphore_mem>>, %arg15: memref<!tpu.dma_semaphore, #tpu.memory_space<semaphore_mem>>, %arg16: memref<!tpu.dma_semaphore, #tpu.memory_space<semaphore_mem>>, %arg17: memref<!tpu.dma_semaphore, #tpu.memory_space<semaphore_mem>>) attributes {dimension_semantics = [#tpu.dimension_semantics<core_parallel>, #tpu.dimension_semantics<subcore_parallel>], iteration_bounds = array<i64: 2, 16>, scalar_prefetch = 0 : i64, scratch_operands = 11 : i64, tpu.core_type = #tpu.core_type<sc_vector_subcore>, window_params = [{transform_indices = #map}, {transform_indices = #map1}, {transform_indices = #map}, {transform_indices = #map1}, {transform_indices = #map1}]} {
    %mul3A = arith.constant 16 : i32
    %mul3A_0 = arith.muli %arg0, %mul3A : i32
    %add3A = arith.addi %mul3A_0, %arg1 : i32
    %mul3A_1 = arith.constant 128 : i32
    %mul3A_2 = arith.muli %arg1, %mul3A_1 : i32
    "tpu.region"() ({
      %run_scoped3A = tpu.sem_alloc : memref<!tpu.dma_semaphore, #tpu.memory_space<semaphore_mem>>
      %dma_start3A_64 = arith.constant 0 : i32
      %dma_start3A_65 = arith.constant 0 : i32
      %dma_start3A_66 = tpu.memref_slice %arg2[%add3A, %dma_start3A_64, %dma_start3A_65] : memref<32x64x100xi32, #tpu.memory_space<hbm>> -> memref<1x64x100xi32, #tpu.memory_space<hbm>>
      %dma_start3A_67 = tpu.memref_squeeze %dma_start3A_66 : memref<1x64x100xi32, #tpu.memory_space<hbm>> -> memref<64x100xi32, #tpu.memory_space<hbm>>
      %dma_start3A_68 = arith.constant 0 : i32
      %dma_start3A_69 = arith.constant 0 : i32
      %dma_start3A_70 = tpu.memref_slice %arg2[%add3A, %dma_start3A_68, %dma_start3A_69] : memref<32x64x100xi32, #tpu.memory_space<hbm>> -> memref<1x64x100xi32, #tpu.memory_space<hbm>>
      %dma_start3A_71 = tpu.memref_squeeze %dma_start3A_70 : memref<1x64x100xi32, #tpu.memory_space<hbm>> -> memref<64x100xi32, #tpu.memory_space<hbm>>
      tpu.enqueue_dma source(%dma_start3A_71 : memref<64x100xi32, #tpu.memory_space<hbm>>) target(%arg7 : memref<64x100xi32, #tpu.memory_space<vmem>>) target_semaphore(%run_scoped3A : memref<!tpu.dma_semaphore, #tpu.memory_space<semaphore_mem>>)
      %dma_wait3A_72 = arith.constant 0 : i32
      %dma_wait3A_73 = arith.constant 0 : i32
      %dma_wait3A_74 = tpu.memref_slice %arg2[%add3A, %dma_wait3A_72, %dma_wait3A_73] : memref<32x64x100xi32, #tpu.memory_space<hbm>> -> memref<1x64x100xi32, #tpu.memory_space<hbm>>
      %dma_wait3A_75 = tpu.memref_squeeze %dma_wait3A_74 : memref<1x64x100xi32, #tpu.memory_space<hbm>> -> memref<64x100xi32, #tpu.memory_space<hbm>>
      %dma_wait3A_76 = arith.constant 0 : i32
      %dma_wait3A_77 = arith.constant 0 : i32
      %dma_wait3A_78 = tpu.memref_slice %arg2[%add3A, %dma_wait3A_76, %dma_wait3A_77] : memref<32x64x100xi32, #tpu.memory_space<hbm>> -> memref<1x64x100xi32, #tpu.memory_space<hbm>>
      %dma_wait3A_79 = tpu.memref_squeeze %dma_wait3A_78 : memref<1x64x100xi32, #tpu.memory_space<hbm>> -> memref<64x100xi32, #tpu.memory_space<hbm>>
      tpu.wait_dma2 semaphore(%run_scoped3A : memref<!tpu.dma_semaphore, #tpu.memory_space<semaphore_mem>>) src(%dma_wait3A_79 : memref<64x100xi32, #tpu.memory_space<hbm>>) dst(%arg7 : memref<64x100xi32, #tpu.memory_space<vmem>>)
      tpu.yield
    }) : () -> ()
    "tpu.region"() ({
      %run_scoped3A = tpu.sem_alloc : memref<!tpu.dma_semaphore, #tpu.memory_space<semaphore_mem>>
      %dma_start3A_64 = arith.constant 0 : i32
      %dma_start3A_65 = arith.constant 0 : i32
      %dma_start3A_66 = tpu.memref_slice %arg4[%arg1, %dma_start3A_64, %dma_start3A_65] : memref<16x64x100xi32, #tpu.memory_space<hbm>> -> memref<1x64x100xi32, #tpu.memory_space<hbm>>
      %dma_start3A_67 = tpu.memref_squeeze %dma_start3A_66 : memref<1x64x100xi32, #tpu.memory_space<hbm>> -> memref<64x100xi32, #tpu.memory_space<hbm>>
      %dma_start3A_68 = arith.constant 0 : i32
      %dma_start3A_69 = arith.constant 0 : i32
      %dma_start3A_70 = tpu.memref_slice %arg4[%arg1, %dma_start3A_68, %dma_start3A_69] : memref<16x64x100xi32, #tpu.memory_space<hbm>> -> memref<1x64x100xi32, #tpu.memory_space<hbm>>
      %dma_start3A_71 = tpu.memref_squeeze %dma_start3A_70 : memref<1x64x100xi32, #tpu.memory_space<hbm>> -> memref<64x100xi32, #tpu.memory_space<hbm>>
      tpu.enqueue_dma source(%dma_start3A_71 : memref<64x100xi32, #tpu.memory_space<hbm>>) target(%arg8 : memref<64x100xi32, #tpu.memory_space<vmem>>) target_semaphore(%run_scoped3A : memref<!tpu.dma_semaphore, #tpu.memory_space<semaphore_mem>>)
      %dma_wait3A_72 = arith.constant 0 : i32
      %dma_wait3A_73 = arith.constant 0 : i32
      %dma_wait3A_74 = tpu.memref_slice %arg4[%arg1, %dma_wait3A_72, %dma_wait3A_73] : memref<16x64x100xi32, #tpu.memory_space<hbm>> -> memref<1x64x100xi32, #tpu.memory_space<hbm>>
      %dma_wait3A_75 = tpu.memref_squeeze %dma_wait3A_74 : memref<1x64x100xi32, #tpu.memory_space<hbm>> -> memref<64x100xi32, #tpu.memory_space<hbm>>
      %dma_wait3A_76 = arith.constant 0 : i32
      %dma_wait3A_77 = arith.constant 0 : i32
      %dma_wait3A_78 = tpu.memref_slice %arg4[%arg1, %dma_wait3A_76, %dma_wait3A_77] : memref<16x64x100xi32, #tpu.memory_space<hbm>> -> memref<1x64x100xi32, #tpu.memory_space<hbm>>
      %dma_wait3A_79 = tpu.memref_squeeze %dma_wait3A_78 : memref<1x64x100xi32, #tpu.memory_space<hbm>> -> memref<64x100xi32, #tpu.memory_space<hbm>>
      tpu.wait_dma2 semaphore(%run_scoped3A : memref<!tpu.dma_semaphore, #tpu.memory_space<semaphore_mem>>) src(%dma_wait3A_79 : memref<64x100xi32, #tpu.memory_space<hbm>>) dst(%arg8 : memref<64x100xi32, #tpu.memory_space<vmem>>)
      tpu.yield
    }) : () -> ()
    "tpu.region"() ({
      %run_scoped3A = tpu.sem_alloc : memref<!tpu.dma_semaphore, #tpu.memory_space<semaphore_mem>>
      %dma_start3A_64 = arith.constant 0 : i32
      %dma_start3A_65 = tpu.memref_slice %arg13[%mul3A_2, %dma_start3A_64] : memref<2048x128xf32, #tpu.memory_space<vmem_shared>> -> memref<128x128xf32, #tpu.memory_space<vmem_shared>>
      tpu.enqueue_dma source(%arg5 : memref<128x128xf32, #tpu.memory_space<hbm>>) target(%dma_start3A_65 : memref<128x128xf32, #tpu.memory_space<vmem_shared>>) target_semaphore(%run_scoped3A : memref<!tpu.dma_semaphore, #tpu.memory_space<semaphore_mem>>)
      %dma_wait3A_66 = arith.constant 0 : i32
      %dma_wait3A_67 = tpu.memref_slice %arg13[%mul3A_2, %dma_wait3A_66] : memref<2048x128xf32, #tpu.memory_space<vmem_shared>> -> memref<128x128xf32, #tpu.memory_space<vmem_shared>>
      tpu.wait_dma2 semaphore(%run_scoped3A : memref<!tpu.dma_semaphore, #tpu.memory_space<semaphore_mem>>) src(%arg5 : memref<128x128xf32, #tpu.memory_space<hbm>>) dst(%dma_wait3A_67 : memref<128x128xf32, #tpu.memory_space<vmem_shared>>)
      tpu.yield
    }) : () -> ()
    %dma_start3A = arith.constant 0 : i32
    %dma_start3A_3 = arith.constant 0 : i32
    %dma_start3A_4 = tpu.memref_slice %arg7[%dma_start3A, %dma_start3A_3] : memref<64x100xi32, #tpu.memory_space<vmem>> -> memref<1x100xi32, #tpu.memory_space<vmem>>
    %dma_start3A_5 = tpu.memref_squeeze %dma_start3A_4 : memref<1x100xi32, #tpu.memory_space<vmem>> -> memref<100xi32, #tpu.memory_space<vmem>>
    %dma_start3A_6 = arith.constant 0 : i32
    %dma_start3A_7 = arith.constant 0 : i32
    %dma_start3A_8 = tpu.memref_slice %arg3[%dma_start3A_6, %dma_start3A_7] : memref<100000x128xf32, #tpu.memory_space<hbm>> -> memref<100000x128xf32, #tpu.memory_space<hbm>>
    tpu.enqueue_indirect_dma source(%dma_start3A_8 : memref<100000x128xf32, #tpu.memory_space<hbm>>) target(%arg9 : memref<100x128xf32, #tpu.memory_space<vmem>>) offsets(%dma_start3A_5 : memref<100xi32, #tpu.memory_space<vmem>>) semaphore(%arg14 : memref<!tpu.dma_semaphore, #tpu.memory_space<semaphore_mem>>)
    %dma_start3A_9 = arith.constant 1 : i32
    %dma_start3A_10 = arith.constant 0 : i32
    %dma_start3A_11 = tpu.memref_slice %arg7[%dma_start3A_9, %dma_start3A_10] : memref<64x100xi32, #tpu.memory_space<vmem>> -> memref<1x100xi32, #tpu.memory_space<vmem>>
    %dma_start3A_12 = tpu.memref_squeeze %dma_start3A_11 : memref<1x100xi32, #tpu.memory_space<vmem>> -> memref<100xi32, #tpu.memory_space<vmem>>
    %dma_start3A_13 = arith.constant 0 : i32
    %dma_start3A_14 = arith.constant 0 : i32
    %dma_start3A_15 = tpu.memref_slice %arg3[%dma_start3A_13, %dma_start3A_14] : memref<100000x128xf32, #tpu.memory_space<hbm>> -> memref<100000x128xf32, #tpu.memory_space<hbm>>
    tpu.enqueue_indirect_dma source(%dma_start3A_15 : memref<100000x128xf32, #tpu.memory_space<hbm>>) target(%arg10 : memref<100x128xf32, #tpu.memory_space<vmem>>) offsets(%dma_start3A_12 : memref<100xi32, #tpu.memory_space<vmem>>) semaphore(%arg15 : memref<!tpu.dma_semaphore, #tpu.memory_space<semaphore_mem>>)
    %dma_start3A_16 = arith.constant 2 : i32
    %dma_start3A_17 = arith.constant 0 : i32
    %dma_start3A_18 = tpu.memref_slice %arg7[%dma_start3A_16, %dma_start3A_17] : memref<64x100xi32, #tpu.memory_space<vmem>> -> memref<1x100xi32, #tpu.memory_space<vmem>>
    %dma_start3A_19 = tpu.memref_squeeze %dma_start3A_18 : memref<1x100xi32, #tpu.memory_space<vmem>> -> memref<100xi32, #tpu.memory_space<vmem>>
    %dma_start3A_20 = arith.constant 0 : i32
    %dma_start3A_21 = arith.constant 0 : i32
    %dma_start3A_22 = tpu.memref_slice %arg3[%dma_start3A_20, %dma_start3A_21] : memref<100000x128xf32, #tpu.memory_space<hbm>> -> memref<100000x128xf32, #tpu.memory_space<hbm>>
    tpu.enqueue_indirect_dma source(%dma_start3A_22 : memref<100000x128xf32, #tpu.memory_space<hbm>>) target(%arg11 : memref<100x128xf32, #tpu.memory_space<vmem>>) offsets(%dma_start3A_19 : memref<100xi32, #tpu.memory_space<vmem>>) semaphore(%arg16 : memref<!tpu.dma_semaphore, #tpu.memory_space<semaphore_mem>>)
    %dma_start3A_23 = arith.constant 3 : i32
    %dma_start3A_24 = arith.constant 0 : i32
    %dma_start3A_25 = tpu.memref_slice %arg7[%dma_start3A_23, %dma_start3A_24] : memref<64x100xi32, #tpu.memory_space<vmem>> -> memref<1x100xi32, #tpu.memory_space<vmem>>
    %dma_start3A_26 = tpu.memref_squeeze %dma_start3A_25 : memref<1x100xi32, #tpu.memory_space<vmem>> -> memref<100xi32, #tpu.memory_space<vmem>>
    %dma_start3A_27 = arith.constant 0 : i32
    %dma_start3A_28 = arith.constant 0 : i32
    %dma_start3A_29 = tpu.memref_slice %arg3[%dma_start3A_27, %dma_start3A_28] : memref<100000x128xf32, #tpu.memory_space<hbm>> -> memref<100000x128xf32, #tpu.memory_space<hbm>>
    tpu.enqueue_indirect_dma source(%dma_start3A_29 : memref<100000x128xf32, #tpu.memory_space<hbm>>) target(%arg12 : memref<100x128xf32, #tpu.memory_space<vmem>>) offsets(%dma_start3A_26 : memref<100xi32, #tpu.memory_space<vmem>>) semaphore(%arg17 : memref<!tpu.dma_semaphore, #tpu.memory_space<semaphore_mem>>)
    %scan3A = arith.constant 0 : i32
    %scan3A_30 = arith.constant 0 : i32
    %scan3A_31 = arith.constant 15 : i32
    %scan3A_32 = arith.addi %scan3A_30, %scan3A_31 : i32
    %scan3A_33 = arith.constant 1 : i32
    scf.for %scan3A_64 = %scan3A_30 to %scan3A_32 step %scan3A_33  : i32 {
      %mul3A_65 = arith.constant 4 : i32
      %mul3A_66 = arith.muli %mul3A_65, %scan3A_64 : i32
      %add3A_67 = arith.constant 0 : i32
      %add3A_68 = arith.addi %mul3A_66, %add3A_67 : i32
      %dma_wait3A_69 = arith.constant 0 : i32
      %dma_wait3A_70 = tpu.memref_slice %arg7[%add3A_68, %dma_wait3A_69] : memref<64x100xi32, #tpu.memory_space<vmem>> -> memref<1x100xi32, #tpu.memory_space<vmem>>
      %dma_wait3A_71 = tpu.memref_squeeze %dma_wait3A_70 : memref<1x100xi32, #tpu.memory_space<vmem>> -> memref<100xi32, #tpu.memory_space<vmem>>
      %dma_wait3A_72 = arith.constant 0 : i32
      %dma_wait3A_73 = arith.constant 0 : i32
      %dma_wait3A_74 = tpu.memref_slice %arg3[%dma_wait3A_72, %dma_wait3A_73] : memref<100000x128xf32, #tpu.memory_space<hbm>> -> memref<100000x128xf32, #tpu.memory_space<hbm>>
      tpu.wait_indirect_dma semaphore(%arg14 : memref<!tpu.dma_semaphore, #tpu.memory_space<semaphore_mem>>) src(%dma_wait3A_74 : memref<100000x128xf32, #tpu.memory_space<hbm>>) dst(%arg9 : memref<100x128xf32, #tpu.memory_space<vmem>>)
      %add3A_75 = arith.constant 0 : i32
      %add3A_76 = arith.addi %mul3A_66, %add3A_75 : i32
      %add3A_77 = arith.constant 4 : i32
      %add3A_78 = arith.addi %add3A_76, %add3A_77 : i32
      %dma_start3A_79 = arith.constant 0 : i32
      %dma_start3A_80 = tpu.memref_slice %arg7[%add3A_78, %dma_start3A_79] : memref<64x100xi32, #tpu.memory_space<vmem>> -> memref<1x100xi32, #tpu.memory_space<vmem>>
      %dma_start3A_81 = tpu.memref_squeeze %dma_start3A_80 : memref<1x100xi32, #tpu.memory_space<vmem>> -> memref<100xi32, #tpu.memory_space<vmem>>
      %dma_start3A_82 = arith.constant 0 : i32
      %dma_start3A_83 = arith.constant 0 : i32
      %dma_start3A_84 = tpu.memref_slice %arg3[%dma_start3A_82, %dma_start3A_83] : memref<100000x128xf32, #tpu.memory_space<hbm>> -> memref<100000x128xf32, #tpu.memory_space<hbm>>
      tpu.enqueue_indirect_dma source(%dma_start3A_84 : memref<100000x128xf32, #tpu.memory_space<hbm>>) target(%arg9 : memref<100x128xf32, #tpu.memory_space<vmem>>) offsets(%dma_start3A_81 : memref<100xi32, #tpu.memory_space<vmem>>) semaphore(%arg14 : memref<!tpu.dma_semaphore, #tpu.memory_space<semaphore_mem>>)
      %add3A_85 = arith.constant 1 : i32
      %add3A_86 = arith.addi %mul3A_66, %add3A_85 : i32
      %dma_wait3A_87 = arith.constant 0 : i32
      %dma_wait3A_88 = tpu.memref_slice %arg7[%add3A_86, %dma_wait3A_87] : memref<64x100xi32, #tpu.memory_space<vmem>> -> memref<1x100xi32, #tpu.memory_space<vmem>>
      %dma_wait3A_89 = tpu.memref_squeeze %dma_wait3A_88 : memref<1x100xi32, #tpu.memory_space<vmem>> -> memref<100xi32, #tpu.memory_space<vmem>>
      %dma_wait3A_90 = arith.constant 0 : i32
      %dma_wait3A_91 = arith.constant 0 : i32
      %dma_wait3A_92 = tpu.memref_slice %arg3[%dma_wait3A_90, %dma_wait3A_91] : memref<100000x128xf32, #tpu.memory_space<hbm>> -> memref<100000x128xf32, #tpu.memory_space<hbm>>
      tpu.wait_indirect_dma semaphore(%arg15 : memref<!tpu.dma_semaphore, #tpu.memory_space<semaphore_mem>>) src(%dma_wait3A_92 : memref<100000x128xf32, #tpu.memory_space<hbm>>) dst(%arg10 : memref<100x128xf32, #tpu.memory_space<vmem>>)
      %add3A_93 = arith.constant 1 : i32
      %add3A_94 = arith.addi %mul3A_66, %add3A_93 : i32
      %add3A_95 = arith.constant 4 : i32
      %add3A_96 = arith.addi %add3A_94, %add3A_95 : i32
      %dma_start3A_97 = arith.constant 0 : i32
      %dma_start3A_98 = tpu.memref_slice %arg7[%add3A_96, %dma_start3A_97] : memref<64x100xi32, #tpu.memory_space<vmem>> -> memref<1x100xi32, #tpu.memory_space<vmem>>
      %dma_start3A_99 = tpu.memref_squeeze %dma_start3A_98 : memref<1x100xi32, #tpu.memory_space<vmem>> -> memref<100xi32, #tpu.memory_space<vmem>>
      %dma_start3A_100 = arith.constant 0 : i32
      %dma_start3A_101 = arith.constant 0 : i32
      %dma_start3A_102 = tpu.memref_slice %arg3[%dma_start3A_100, %dma_start3A_101] : memref<100000x128xf32, #tpu.memory_space<hbm>> -> memref<100000x128xf32, #tpu.memory_space<hbm>>
      tpu.enqueue_indirect_dma source(%dma_start3A_102 : memref<100000x128xf32, #tpu.memory_space<hbm>>) target(%arg10 : memref<100x128xf32, #tpu.memory_space<vmem>>) offsets(%dma_start3A_99 : memref<100xi32, #tpu.memory_space<vmem>>) semaphore(%arg15 : memref<!tpu.dma_semaphore, #tpu.memory_space<semaphore_mem>>)
      %add3A_103 = arith.constant 2 : i32
      %add3A_104 = arith.addi %mul3A_66, %add3A_103 : i32
      %dma_wait3A_105 = arith.constant 0 : i32
      %dma_wait3A_106 = tpu.memref_slice %arg7[%add3A_104, %dma_wait3A_105] : memref<64x100xi32, #tpu.memory_space<vmem>> -> memref<1x100xi32, #tpu.memory_space<vmem>>
      %dma_wait3A_107 = tpu.memref_squeeze %dma_wait3A_106 : memref<1x100xi32, #tpu.memory_space<vmem>> -> memref<100xi32, #tpu.memory_space<vmem>>
      %dma_wait3A_108 = arith.constant 0 : i32
      %dma_wait3A_109 = arith.constant 0 : i32
      %dma_wait3A_110 = tpu.memref_slice %arg3[%dma_wait3A_108, %dma_wait3A_109] : memref<100000x128xf32, #tpu.memory_space<hbm>> -> memref<100000x128xf32, #tpu.memory_space<hbm>>
      tpu.wait_indirect_dma semaphore(%arg16 : memref<!tpu.dma_semaphore, #tpu.memory_space<semaphore_mem>>) src(%dma_wait3A_110 : memref<100000x128xf32, #tpu.memory_space<hbm>>) dst(%arg11 : memref<100x128xf32, #tpu.memory_space<vmem>>)
      %add3A_111 = arith.constant 2 : i32
      %add3A_112 = arith.addi %mul3A_66, %add3A_111 : i32
      %add3A_113 = arith.constant 4 : i32
      %add3A_114 = arith.addi %add3A_112, %add3A_113 : i32
      %dma_start3A_115 = arith.constant 0 : i32
      %dma_start3A_116 = tpu.memref_slice %arg7[%add3A_114, %dma_start3A_115] : memref<64x100xi32, #tpu.memory_space<vmem>> -> memref<1x100xi32, #tpu.memory_space<vmem>>
      %dma_start3A_117 = tpu.memref_squeeze %dma_start3A_116 : memref<1x100xi32, #tpu.memory_space<vmem>> -> memref<100xi32, #tpu.memory_space<vmem>>
      %dma_start3A_118 = arith.constant 0 : i32
      %dma_start3A_119 = arith.constant 0 : i32
      %dma_start3A_120 = tpu.memref_slice %arg3[%dma_start3A_118, %dma_start3A_119] : memref<100000x128xf32, #tpu.memory_space<hbm>> -> memref<100000x128xf32, #tpu.memory_space<hbm>>
      tpu.enqueue_indirect_dma source(%dma_start3A_120 : memref<100000x128xf32, #tpu.memory_space<hbm>>) target(%arg11 : memref<100x128xf32, #tpu.memory_space<vmem>>) offsets(%dma_start3A_117 : memref<100xi32, #tpu.memory_space<vmem>>) semaphore(%arg16 : memref<!tpu.dma_semaphore, #tpu.memory_space<semaphore_mem>>)
      %add3A_121 = arith.constant 3 : i32
      %add3A_122 = arith.addi %mul3A_66, %add3A_121 : i32
      %dma_wait3A_123 = arith.constant 0 : i32
      %dma_wait3A_124 = tpu.memref_slice %arg7[%add3A_122, %dma_wait3A_123] : memref<64x100xi32, #tpu.memory_space<vmem>> -> memref<1x100xi32, #tpu.memory_space<vmem>>
      %dma_wait3A_125 = tpu.memref_squeeze %dma_wait3A_124 : memref<1x100xi32, #tpu.memory_space<vmem>> -> memref<100xi32, #tpu.memory_space<vmem>>
      %dma_wait3A_126 = arith.constant 0 : i32
      %dma_wait3A_127 = arith.constant 0 : i32
      %dma_wait3A_128 = tpu.memref_slice %arg3[%dma_wait3A_126, %dma_wait3A_127] : memref<100000x128xf32, #tpu.memory_space<hbm>> -> memref<100000x128xf32, #tpu.memory_space<hbm>>
      tpu.wait_indirect_dma semaphore(%arg17 : memref<!tpu.dma_semaphore, #tpu.memory_space<semaphore_mem>>) src(%dma_wait3A_128 : memref<100000x128xf32, #tpu.memory_space<hbm>>) dst(%arg12 : memref<100x128xf32, #tpu.memory_space<vmem>>)
      %add3A_129 = arith.constant 3 : i32
      %add3A_130 = arith.addi %mul3A_66, %add3A_129 : i32
      %add3A_131 = arith.constant 4 : i32
      %add3A_132 = arith.addi %add3A_130, %add3A_131 : i32
      %dma_start3A_133 = arith.constant 0 : i32
      %dma_start3A_134 = tpu.memref_slice %arg7[%add3A_132, %dma_start3A_133] : memref<64x100xi32, #tpu.memory_space<vmem>> -> memref<1x100xi32, #tpu.memory_space<vmem>>
      %dma_start3A_135 = tpu.memref_squeeze %dma_start3A_134 : memref<1x100xi32, #tpu.memory_space<vmem>> -> memref<100xi32, #tpu.memory_space<vmem>>
      %dma_start3A_136 = arith.constant 0 : i32
      %dma_start3A_137 = arith.constant 0 : i32
      %dma_start3A_138 = tpu.memref_slice %arg3[%dma_start3A_136, %dma_start3A_137] : memref<100000x128xf32, #tpu.memory_space<hbm>> -> memref<100000x128xf32, #tpu.memory_space<hbm>>
      tpu.enqueue_indirect_dma source(%dma_start3A_138 : memref<100000x128xf32, #tpu.memory_space<hbm>>) target(%arg12 : memref<100x128xf32, #tpu.memory_space<vmem>>) offsets(%dma_start3A_135 : memref<100xi32, #tpu.memory_space<vmem>>) semaphore(%arg17 : memref<!tpu.dma_semaphore, #tpu.memory_space<semaphore_mem>>)
    }
    %scan3A_34 = arith.constant 15 : i32
    %dma_wait3A = arith.constant 60 : i32
    %dma_wait3A_35 = arith.constant 0 : i32
    %dma_wait3A_36 = tpu.memref_slice %arg7[%dma_wait3A, %dma_wait3A_35] : memref<64x100xi32, #tpu.memory_space<vmem>> -> memref<1x100xi32, #tpu.memory_space<vmem>>
    %dma_wait3A_37 = tpu.memref_squeeze %dma_wait3A_36 : memref<1x100xi32, #tpu.memory_space<vmem>> -> memref<100xi32, #tpu.memory_space<vmem>>
    %dma_wait3A_38 = arith.constant 0 : i32
    %dma_wait3A_39 = arith.constant 0 : i32
    %dma_wait3A_40 = tpu.memref_slice %arg3[%dma_wait3A_38, %dma_wait3A_39] : memref<100000x128xf32, #tpu.memory_space<hbm>> -> memref<100000x128xf32, #tpu.memory_space<hbm>>
    tpu.wait_indirect_dma semaphore(%arg14 : memref<!tpu.dma_semaphore, #tpu.memory_space<semaphore_mem>>) src(%dma_wait3A_40 : memref<100000x128xf32, #tpu.memory_space<hbm>>) dst(%arg9 : memref<100x128xf32, #tpu.memory_space<vmem>>)
    %dma_wait3A_41 = arith.constant 61 : i32
    %dma_wait3A_42 = arith.constant 0 : i32
    %dma_wait3A_43 = tpu.memref_slice %arg7[%dma_wait3A_41, %dma_wait3A_42] : memref<64x100xi32, #tpu.memory_space<vmem>> -> memref<1x100xi32, #tpu.memory_space<vmem>>
    %dma_wait3A_44 = tpu.memref_squeeze %dma_wait3A_43 : memref<1x100xi32, #tpu.memory_space<vmem>> -> memref<100xi32, #tpu.memory_space<vmem>>
    %dma_wait3A_45 = arith.constant 0 : i32
    %dma_wait3A_46 = arith.constant 0 : i32
    %dma_wait3A_47 = tpu.memref_slice %arg3[%dma_wait3A_45, %dma_wait3A_46] : memref<100000x128xf32, #tpu.memory_space<hbm>> -> memref<100000x128xf32, #tpu.memory_space<hbm>>
    tpu.wait_indirect_dma semaphore(%arg15 : memref<!tpu.dma_semaphore, #tpu.memory_space<semaphore_mem>>) src(%dma_wait3A_47 : memref<100000x128xf32, #tpu.memory_space<hbm>>) dst(%arg10 : memref<100x128xf32, #tpu.memory_space<vmem>>)
    %dma_wait3A_48 = arith.constant 62 : i32
    %dma_wait3A_49 = arith.constant 0 : i32
    %dma_wait3A_50 = tpu.memref_slice %arg7[%dma_wait3A_48, %dma_wait3A_49] : memref<64x100xi32, #tpu.memory_space<vmem>> -> memref<1x100xi32, #tpu.memory_space<vmem>>
    %dma_wait3A_51 = tpu.memref_squeeze %dma_wait3A_50 : memref<1x100xi32, #tpu.memory_space<vmem>> -> memref<100xi32, #tpu.memory_space<vmem>>
    %dma_wait3A_52 = arith.constant 0 : i32
    %dma_wait3A_53 = arith.constant 0 : i32
    %dma_wait3A_54 = tpu.memref_slice %arg3[%dma_wait3A_52, %dma_wait3A_53] : memref<100000x128xf32, #tpu.memory_space<hbm>> -> memref<100000x128xf32, #tpu.memory_space<hbm>>
    tpu.wait_indirect_dma semaphore(%arg16 : memref<!tpu.dma_semaphore, #tpu.memory_space<semaphore_mem>>) src(%dma_wait3A_54 : memref<100000x128xf32, #tpu.memory_space<hbm>>) dst(%arg11 : memref<100x128xf32, #tpu.memory_space<vmem>>)
    %dma_wait3A_55 = arith.constant 63 : i32
    %dma_wait3A_56 = arith.constant 0 : i32
    %dma_wait3A_57 = tpu.memref_slice %arg7[%dma_wait3A_55, %dma_wait3A_56] : memref<64x100xi32, #tpu.memory_space<vmem>> -> memref<1x100xi32, #tpu.memory_space<vmem>>
    %dma_wait3A_58 = tpu.memref_squeeze %dma_wait3A_57 : memref<1x100xi32, #tpu.memory_space<vmem>> -> memref<100xi32, #tpu.memory_space<vmem>>
    %dma_wait3A_59 = arith.constant 0 : i32
    %dma_wait3A_60 = arith.constant 0 : i32
    %dma_wait3A_61 = tpu.memref_slice %arg3[%dma_wait3A_59, %dma_wait3A_60] : memref<100000x128xf32, #tpu.memory_space<hbm>> -> memref<100000x128xf32, #tpu.memory_space<hbm>>
    tpu.wait_indirect_dma semaphore(%arg17 : memref<!tpu.dma_semaphore, #tpu.memory_space<semaphore_mem>>) src(%dma_wait3A_61 : memref<100000x128xf32, #tpu.memory_space<hbm>>) dst(%arg12 : memref<100x128xf32, #tpu.memory_space<vmem>>)
    %mul3A_62 = arith.constant 128 : i32
    %mul3A_63 = arith.muli %add3A, %mul3A_62 : i32
    "tpu.region"() ({
      %run_scoped3A = tpu.sem_alloc : memref<!tpu.dma_semaphore, #tpu.memory_space<semaphore_mem>>
      %dma_start3A_64 = arith.constant 0 : i32
      %dma_start3A_65 = tpu.memref_slice %arg6[%mul3A_63, %dma_start3A_64] : memref<4096x128xf32, #tpu.memory_space<hbm>> -> memref<128x128xf32, #tpu.memory_space<hbm>>
      %dma_start3A_66 = arith.constant 0 : i32
      %dma_start3A_67 = tpu.memref_slice %arg13[%mul3A_2, %dma_start3A_66] : memref<2048x128xf32, #tpu.memory_space<vmem_shared>> -> memref<128x128xf32, #tpu.memory_space<vmem_shared>>
      tpu.enqueue_dma source(%dma_start3A_67 : memref<128x128xf32, #tpu.memory_space<vmem_shared>>) target(%dma_start3A_65 : memref<128x128xf32, #tpu.memory_space<hbm>>) target_semaphore(%run_scoped3A : memref<!tpu.dma_semaphore, #tpu.memory_space<semaphore_mem>>)
      %dma_wait3A_68 = arith.constant 0 : i32
      %dma_wait3A_69 = tpu.memref_slice %arg6[%mul3A_63, %dma_wait3A_68] : memref<4096x128xf32, #tpu.memory_space<hbm>> -> memref<128x128xf32, #tpu.memory_space<hbm>>
      %dma_wait3A_70 = arith.constant 0 : i32
      %dma_wait3A_71 = tpu.memref_slice %arg13[%mul3A_2, %dma_wait3A_70] : memref<2048x128xf32, #tpu.memory_space<vmem_shared>> -> memref<128x128xf32, #tpu.memory_space<vmem_shared>>
      tpu.wait_dma2 semaphore(%run_scoped3A : memref<!tpu.dma_semaphore, #tpu.memory_space<semaphore_mem>>) src(%dma_wait3A_71 : memref<128x128xf32, #tpu.memory_space<vmem_shared>>) dst(%dma_wait3A_69 : memref<128x128xf32, #tpu.memory_space<hbm>>)
      tpu.yield
    }) : () -> ()
    return
  }
}

module attributes {stable_mosaic.version = 14 : i64} {
  func.func @body(%arg0: i32, %arg1: memref<512x128xf32, #tpu.memory_space<vmem>>, %arg2: memref<512x128xf32, #tpu.memory_space<vmem>>, %arg3: memref<128x512xf32, #tpu.memory_space<vmem>>, %arg4: memref<128x512xf32, #tpu.memory_space<vmem>>, %arg5: memref<1x512xf32, #tpu.memory_space<vmem>>, %arg6: memref<512x128xf32, #tpu.memory_space<vmem>>, %arg7: memref<1x128xf32, #tpu.memory_space<vmem>>, %arg8: memref<512x128xf32, #tpu.memory_space<vmem>>) attributes {dimension_semantics = [#tpu.dimension_semantics<arbitrary>], iteration_bounds = array<i64: 8>, scalar_prefetch = 0 : i64, scratch_operands = 0 : i64, tpu.core_type = #tpu.core_type<tc>, window_params = [{transform_indices = @transform_0, window_bounds = array<i64: 512, 128>}, {transform_indices = @transform_1, window_bounds = array<i64: 512, 128>}, {pipeline_mode = #tpu.pipeline_mode<synchronous>, transform_indices = @transform_2, window_bounds = array<i64: 128, 512>}, {pipeline_mode = #tpu.pipeline_mode<synchronous>, transform_indices = @transform_3, window_bounds = array<i64: 128, 512>}, {pipeline_mode = #tpu.pipeline_mode<synchronous>, transform_indices = @transform_4, window_bounds = array<i64: 1, 512>}, {pipeline_mode = #tpu.pipeline_mode<synchronous>, transform_indices = @transform_5, window_bounds = array<i64: 512, 128>}, {pipeline_mode = #tpu.pipeline_mode<synchronous>, transform_indices = @transform_6, window_bounds = array<i64: 1, 128>}, {transform_indices = @transform_7, window_bounds = array<i64: 512, 128>}]} {
    %get3A = arith.constant 0 : index
    %get3A_0 = arith.constant 0 : index
    %get3A_1 = vector.load %arg1[%get3A, %get3A_0] : memref<512x128xf32, #tpu.memory_space<vmem>>, vector<512x128xf32>
    %get3A_2 = arith.constant 0 : index
    %get3A_3 = arith.constant 0 : index
    %get3A_4 = vector.load %arg2[%get3A_2, %get3A_3] : memref<512x128xf32, #tpu.memory_space<vmem>>, vector<512x128xf32>
    %mul3A = arith.constant 2.000000e-02 : f32
    %mul3A_5 = vector.broadcast %mul3A : f32 to vector<512x128xf32>
    %mul3A_6 = arith.mulf %get3A_4, %mul3A_5 : vector<512x128xf32>
    %get3A_7 = arith.constant 0 : index
    %get3A_8 = arith.constant 0 : index
    %get3A_9 = vector.load %arg3[%get3A_7, %get3A_8] : memref<128x512xf32, #tpu.memory_space<vmem>>, vector<128x512xf32>
    %dot_general3A = arith.constant dense<0.000000e+00> : vector<512x512xf32>
    %dot_general3A_10 = tpu.matmul %get3A_1, %get3A_9, %dot_general3A {dimension_numbers = #tpu.dot_dimension_numbers<[1], [0], [0], [1], [0, 0, 1, 1], [], []>, transpose_lhs_hint = false} : vector<512x128xf32>, vector<128x512xf32>, vector<512x512xf32> -> vector<512x512xf32>
    %get3A_11 = arith.constant 0 : index
    %get3A_12 = arith.constant 0 : index
    %get3A_13 = vector.load %arg4[%get3A_11, %get3A_12] : memref<128x512xf32, #tpu.memory_space<vmem>>, vector<128x512xf32>
    %dot_general3A_14 = arith.constant dense<0.000000e+00> : vector<512x512xf32>
    %dot_general3A_15 = tpu.matmul %mul3A_6, %get3A_13, %dot_general3A_14 {dimension_numbers = #tpu.dot_dimension_numbers<[1], [0], [0], [1], [0, 0, 1, 1], [], []>, transpose_lhs_hint = false} : vector<512x128xf32>, vector<128x512xf32>, vector<512x512xf32> -> vector<512x512xf32>
    %add3A = arith.addf %dot_general3A_10, %dot_general3A_15 : vector<512x512xf32>
    %get3A_16 = arith.constant 0 : index
    %get3A_17 = arith.constant 0 : index
    %get3A_18 = vector.load %arg5[%get3A_16, %get3A_17] : memref<1x512xf32, #tpu.memory_space<vmem>>, vector<1x512xf32>
    %add3A_19 = vector.broadcast %get3A_18 : vector<1x512xf32> to vector<512x512xf32>
    %add3A_20 = arith.addf %add3A, %add3A_19 : vector<512x512xf32>
    %max3A = arith.constant 0.000000e+00 : f32
    %max3A_21 = vector.broadcast %max3A : f32 to vector<512x512xf32>
    %max3A_22 = arith.maximumf %add3A_20, %max3A_21 : vector<512x512xf32>
    %get3A_23 = arith.constant 0 : index
    %get3A_24 = arith.constant 0 : index
    %get3A_25 = vector.load %arg6[%get3A_23, %get3A_24] : memref<512x128xf32, #tpu.memory_space<vmem>>, vector<512x128xf32>
    %dot_general3A_26 = arith.constant dense<0.000000e+00> : vector<512x128xf32>
    %dot_general3A_27 = tpu.matmul %max3A_22, %get3A_25, %dot_general3A_26 {dimension_numbers = #tpu.dot_dimension_numbers<[1], [0], [0], [1], [0, 0, 1, 1], [], []>, transpose_lhs_hint = false} : vector<512x512xf32>, vector<512x128xf32>, vector<512x128xf32> -> vector<512x128xf32>
    %get3A_28 = arith.constant 0 : index
    %get3A_29 = arith.constant 0 : index
    %get3A_30 = vector.load %arg7[%get3A_28, %get3A_29] : memref<1x128xf32, #tpu.memory_space<vmem>>, vector<1x128xf32>
    %add3A_31 = vector.broadcast %get3A_30 : vector<1x128xf32> to vector<512x128xf32>
    %add3A_32 = arith.addf %dot_general3A_27, %add3A_31 : vector<512x128xf32>
    %swap3A = arith.constant 0 : index
    %swap3A_33 = arith.constant 0 : index
    %swap3A_34 = vector.load %arg8[%swap3A, %swap3A_33] : memref<512x128xf32, #tpu.memory_space<vmem>>, vector<512x128xf32>
    tpu.vector_store %arg8[%swap3A, %swap3A_33], %add3A_32 {strides = array<i32>} : memref<512x128xf32, #tpu.memory_space<vmem>>, vector<512x128xf32>,
    return
  }
  func.func @transform_0(%arg0: i32) -> (i32, i32) {
    %c0_i32 = arith.constant 0 : i32
    %c0_i32_0 = arith.constant 0 : i32
    return %arg0, %c0_i32 : i32, i32
  }
  func.func @transform_1(%arg0: i32) -> (i32, i32) {
    %c0_i32 = arith.constant 0 : i32
    %c0_i32_0 = arith.constant 0 : i32
    return %arg0, %c0_i32 : i32, i32
  }
  func.func @transform_2(%arg0: i32) -> (i32, i32) {
    %c0_i32 = arith.constant 0 : i32
    %c0_i32_0 = arith.constant 0 : i32
    %c0_i32_1 = arith.constant 0 : i32
    return %c0_i32, %c0_i32_0 : i32, i32
  }
  func.func @transform_3(%arg0: i32) -> (i32, i32) {
    %c0_i32 = arith.constant 0 : i32
    %c0_i32_0 = arith.constant 0 : i32
    %c0_i32_1 = arith.constant 0 : i32
    return %c0_i32, %c0_i32_0 : i32, i32
  }
  func.func @transform_4(%arg0: i32) -> (i32, i32) {
    %c0_i32 = arith.constant 0 : i32
    %c0_i32_0 = arith.constant 0 : i32
    %c0_i32_1 = arith.constant 0 : i32
    return %c0_i32, %c0_i32_0 : i32, i32
  }
  func.func @transform_5(%arg0: i32) -> (i32, i32) {
    %c0_i32 = arith.constant 0 : i32
    %c0_i32_0 = arith.constant 0 : i32
    %c0_i32_1 = arith.constant 0 : i32
    return %c0_i32, %c0_i32_0 : i32, i32
  }
  func.func @transform_6(%arg0: i32) -> (i32, i32) {
    %c0_i32 = arith.constant 0 : i32
    %c0_i32_0 = arith.constant 0 : i32
    %c0_i32_1 = arith.constant 0 : i32
    return %c0_i32, %c0_i32_0 : i32, i32
  }
  func.func @transform_7(%arg0: i32) -> (i32, i32) {
    %c0_i32 = arith.constant 0 : i32
    %c0_i32_0 = arith.constant 0 : i32
    return %arg0, %c0_i32 : i32, i32
  }
}

</mosaic_0001>

<sc_bundles>
// kernel: kernel.4.cloned.1.call-start
scs
__scs_entry_jumppad:
0x0: {  	(pc) =	sbr.rel $0x88, $3  }
0x1: {  	(tag) =	ssettag $0x0;
	lr =	simm.s32 $0x1  }
0x2: {  	[smem:$0x3F9A] =	sst lr;
	_ =	strace $0xD0000000  }
0x3: {  	_ = 	snop  }
0x4: {  	_ = 	snop  }
0x5: {  	_ = 	snop  }
0x6: {  	_ = 	snop  }
0x7: {  	_ = 	snop  }
__scs_overlays_trampoline_lowered:
0x8: {  	[smem:$0x3FA9] =	sst s0  }
0x9: {  	[smem:$0x3FAA] =	sst s1  }
0xa: {  	[smem:$0x3FAB] =	sst s2  }
0xb: {  	[smem:$0x3FAC] =	sst s3  }
0xc: {  	[smem:$0x3FAD] =	sst s4  }
0xd: {  	[smem:$0x3FAE] =	sst s5  }
0xe: {  	[smem:$0x3FAF] =	sst s6  }
0xf: {  	[smem:$0x3FB0] =	sst s7  }
0x10: {  	[smem:$0x3FB1] =	sst s8  }
0x11: {  	[smem:$0x3FB2] =	sst s9;
	s0 =	simm.s32 @!p0 $0x0  }
0x12: {  	s1 =	sld [smem:$0x3F98];
	s0 =	simm.s32 @p0 $0x1  }
0x13: {  	[smem:$0x3FB3] =	sst s0;
	s0 =	simm.s32 @!p1 $0x0  }
0x14: {  	s2 =	sld [smem:$0x3F97];
	s0 =	simm.s32 @p1 $0x1  }
0x15: {  	[smem:$0x3FB4] =	sst s0;
	s0 =	simm.s32 @!p2 $0x0  }
0x16: {  	s3 =	sld [smem:$0x3FDB];
	s0 =	simm.s32 @p2 $0x1  }
0x17: {  	s4 =	simm.s32 $0x1BF5;
	[smem:$0x3FB6] =	sst s0  }
0x18: {  	s0 =	sld [smem:$0x3F99];
	_ =	swait.ge [sflag:s4], $0x0  }
0x19: {  	s7 =	sld [smem:$0x3F9A]  }
0x1a: {  	s8 =	sadd.s32 $0xFFFFE003, lr  }
0x1b: {  	s9 =	sadd.s32 $0xFFFFFEF7, lr;
	s5 =	simm.s32 $0xFFFFFFFF;
	p2 =	slt.u32 s8, $0xFFFFF086  }
0x1c: {  	p1 =	slt.u32 s9, $0xF7A;
	s5 =	simm.s32 @!p2 $0x0  }
0x1d: {  	s5 =	simm.s32 @p1 $0x1;
	p0 =	seq.s32 s7, s2  }
0x1e: {  	s7 =	smul.u32 @!p0 $0xF7A, s2;
	p2 =	seq.s32 @!p0 s5, $0x0  }
0x1f: {  	s9 =	smul.u32 $0xF7A, s1;
	s8 =	simm.s32 @!p0 $0x1BF5;
	p2 =	por !p2, p0  }
0x20: {  	[sflag:s8] =	ssyncset.s32 @!p0 $0xFFFFF086;
	s6 =	sadd.s32 @!p0 s3, s7;
	s7 =	simm.s32 @!p0 $0x108  }
0x21: {  	s3 =	sadd.s32 s3, s9;
	s6 =	sadd.s32 @!p0 $0x88, s6;
	s7 =	simm.s32 @p2 $0x1082  }
0x22: {  	[simem:s7], [sflag:s8] =	dma.local @!p0 [hbm:s6], $0xF7A  }
0x23: {  	s9 =	sor.u32 $0xD0000000, s2;
	s6 =	simm.s32 $0x108;
	_ =	swait.ge @!p0 [sflag:s8], $0x0  }
0x24: {  	s3 =	sadd.s32 $0x88, s3;
	s6 =	simm.s32 @!p1 $0x1082;
	[sflag:s4] =	ssyncset.s32 $0xFFFFF086  }
0x25: {  	[simem:s6], [sflag:s4] =	dma.local [hbm:s3], $0xF7A  }
0x26: {  	[smem:$0x3F9A] =	sst s1;
	(tag) =	ssettag s2;
	_ =	strace s9  }
0x27: {  	s1 =	sld [smem:$0x3FAA]  }
0x28: {  	s2 =	sld [smem:$0x3FAB]  }
0x29: {  	s4 =	sld [smem:$0x3FAD]  }
0x2a: {  	p0 =	seq.s32 s5, $0x0;
	s5 =	sld [smem:$0x3FAE]  }
0x2b: {  	s6 =	sld [smem:$0x3FAF]  }
0x2c: {  	s7 =	sld [smem:$0x3FB0]  }
0x2d: {  	s3 =	simm.s32 $0x108;
	s8 =	sld [smem:$0x3FB1]  }
0x2e: {  	s3 =	simm.s32 @!p0 $0x1082;
	s9 =	sld [smem:$0x3FB2]  }
0x2f: {  	lr =	sadd.s32 s0, s3;
	s0 =	sld [smem:$0x3FA9]  }
0x30: {  	s3 =	sld [smem:$0x3FAC]  }
0x31: {  	[smem:$0x3FB5] =	sst s10  }
0x32: {  	s10 =	sld [smem:$0x3FB3];
	_ =	sdelay $0x3  }
0x33: {  	p0 =	seq.s32 s10, $0x1;
	s10 =	sld [smem:$0x3FB5];
	_ =	sdelay $0x3  }
0x34: {  	[smem:$0x3FB5] =	sst s10  }
0x35: {  	s10 =	sld [smem:$0x3FB4];
	_ =	sdelay $0x3  }
0x36: {  	p1 =	seq.s32 s10, $0x1;
	s10 =	sld [smem:$0x3FB5];
	_ =	sdelay $0x3  }
0x37: {  	[smem:$0x3FB5] =	sst s10  }
0x38: {  	s10 =	sld [smem:$0x3FB6]  }
0x39: {  	_ = 	snop;
	(pc) =	sbr.ind lr, $3  }
0x3a: {  	_ = 	snop  }
0x3b: {  	_ = 	snop  }
0x3c: {  	p2 =	seq.s32 s10, $0x1;
	s10 =	sld [smem:$0x3FB5]  }
0x3d: {  	_ =	shalt  }
0x3e: {  	_ =	shalt  }
0x3f: {  	_ =	shalt  }
0x40: {  	_ =	shalt  }
0x41: {  	_ =	shalt  }
0x42: {  	_ =	shalt  }
0x43: {  	_ =	shalt  }
0x44: {  	_ =	shalt  }
0x45: {  	_ =	shalt  }
0x46: {  	_ =	shalt  }
0x47: {  	_ =	shalt  }
0x48: {  	_ =	shalt  }
0x49: {  	_ =	shalt  }
0x4a: {  	_ =	shalt  }
0x4b: {  	_ =	shalt  }
0x4c: {  	_ =	shalt  }
0x4d: {  	_ =	shalt  }
0x4e: {  	_ =	shalt  }
0x4f: {  	_ =	shalt  }
0x50: {  	_ =	shalt  }
0x51: {  	_ =	shalt  }
0x52: {  	_ =	shalt  }
0x53: {  	_ =	shalt  }
0x54: {  	_ =	shalt  }
0x55: {  	_ =	shalt  }
0x56: {  	_ =	shalt  }
0x57: {  	_ =	shalt  }
0x58: {  	_ =	shalt  }
0x59: {  	_ =	shalt  }
0x5a: {  	_ =	shalt  }
0x5b: {  	_ =	shalt  }
0x5c: {  	_ =	shalt  }
0x5d: {  	_ =	shalt  }
0x5e: {  	_ =	shalt  }
0x5f: {  	_ =	shalt  }
0x60: {  	_ =	shalt  }
0x61: {  	_ =	shalt  }
0x62: {  	_ =	shalt  }
0x63: {  	_ =	shalt  }
0x64: {  	_ =	shalt  }
0x65: {  	_ =	shalt  }
0x66: {  	_ =	shalt  }
0x67: {  	_ =	shalt  }
0x68: {  	_ =	shalt  }
0x69: {  	_ =	shalt  }
0x6a: {  	_ =	shalt  }
0x6b: {  	_ =	shalt  }
0x6c: {  	_ =	shalt  }
0x6d: {  	_ =	shalt  }
0x6e: {  	_ =	shalt  }
0x6f: {  	_ =	shalt  }
0x70: {  	_ =	shalt  }
0x71: {  	_ =	shalt  }
0x72: {  	_ =	shalt  }
0x73: {  	_ =	shalt  }
0x74: {  	_ =	shalt  }
0x75: {  	_ =	shalt  }
0x76: {  	_ =	shalt  }
0x77: {  	_ =	shalt  }
0x78: {  	_ =	shalt  }
0x79: {  	_ =	shalt  }
0x7a: {  	_ =	shalt  }
0x7b: {  	_ =	shalt  }
0x7c: {  	_ =	shalt  }
0x7d: {  	_ =	shalt  }
0x7e: {  	_ =	shalt  }
0x7f: {  	_ =	shalt  }
0x80: {  	_ =	shalt  }
0x81: {  	_ =	shalt  }
0x82: {  	_ =	shalt  }
0x83: {  	_ =	shalt  }
0x84: {  	_ =	shalt  }
0x85: {  	_ =	shalt  }
0x86: {  	_ =	shalt  }
0x87: {  	_ =	shalt  }
.Lfunc_end0:
.L_simem_size_0:
called_computation_lowered:
.L_overlay_start_0:
0x88: {  	s2 =	sld [smem:$0x3FD9]  }
0x89: {  	s3 =	sld [smem:$0x3FFE];
	_ =	sdelay $0x1  }
0x8a: {  	s1 =	srdreg.scid  }
0x8b: {  	s0 =	sand.u32 $0x1, s1  }
0x8c: {  	s17 =	sshll.u32 s0, $0xA;
	s2 =	sadd.s32 s3, s2  }
0x8d: {  	s2 =	sadd.s32 s2, s17  }
0x8e: {  	[smem:$0x3FC1] =	sst s2  }
0x8f: {  	_ = 	snop  }
0x90: {  	s2 =	sld [smem:$0x3FC7]  }
0x91: {  	s18 =	sld [smem:$0x3FD0];
	(tm) =	ssettm $0x1  }
0x92: {  	s4 =	sld [smem:$0x3FFB];
	_ =	sdelay $0x3  }
0x93: {  	_ =	strace s4  }
0x94: {  	s4 =	sld [smem:$0x3FFC];
	_ =	sdelay $0x3  }
0x95: {  	_ =	strace s4  }
0x96: {  	s4 =	sld [smem:$0x3FFD];
	_ =	sdelay $0x3  }
0x97: {  	_ =	strace s4  }
0x98: {  	_ =	strace $0x8FFFFFFF  }
0x99: {  	s19 =	sld [smem:$0x3FDB];
	_ =	sdelay $0x1  }
0x9a: {  	s5 =	simm.s32 $_scs_section_size  }
0x9b: {  	s6 =	simm.s32 $_size__tile_overlayer_lowered;
	s7 =	simm.s32 $_tile_overlayer_lowered  }
0x9c: {  	s22 =	simm.s32 $0x1BFF;
	s21 =	sshll.u32 s7, $0x1;
	s4 =	sadd.s32 s5, s19  }
0x9d: {  	s8 =	simm.s32 $0x0;
	s20 =	sshll.u32 s6, $0x1;
	s6 =	sadd.s32 s21, s4  }
0x9e: {  	[timem:s8], [sflag:s22] =	dma.local [hbm:s6], s20  }
0x9f: {  	_ =	swait.ge [sflag:s22], s20  }
0xa0: {  	s5 =	ssub.s32 $0x0, s20;
	[sflag:s22] =	ssyncset.done $0x0  }
0xa1: {  	[sflag:s22] =	ssyncadd.s32 s5;
	_ =	sdelay $0x1  }
0xa2: {  	s23 =	simm.s32 $0x1B8B  }
0xa3: {  	_ =	swait.ge [sflag:s23], $0x1  }
0xa4: {  	[sflag:s23] =	ssyncset.done $0x0  }
0xa5: {  	s25 =	simm.s32 $0x1B8E;
	s24 =	sld [smem:$0x3FFE];
	[sflag:s23] =	ssyncadd.s32 $0xFFFFFFFF  }
0xa6: {  	s26 =	simm.s32 $execute0_lowered;
	[smem:$0x3FD2] =	sst s25  }
0xa7: {  	s6 =	sshll.u32 s26, $0x1;
	_ =	strace $0x80000046;
	[dreg:$0x1] =	wrdreg $0xFFFFFFFF  }
0xa8: {  	s28 =	simm.s32 $_size_execute0_lowered;
	s4 =	sadd.s32 s4, s6;
	[dreg:$0x0] =	wrdreg $0x0  }
0xa9: {  	s6 =	sshll.u32 s28, $0x1;
	[dreg:$0x2] =	wrdreg s4  }
0xaa: {  	[dreg:$0x3] =	wrdreg s6  }
0xab: {  	[dreg:$0x4] =	wrdreg $0xC0  }
0xac: {  	_ =	task [dreg:s8], $0x5FFFF  }
0xad: {  	[dreg:$0x1] =	wrdreg $0xFFFFFFFF  }
0xae: {  	[dreg:$0x0] =	wrdreg $0x60  }
0xaf: {  	[dreg:$0x2] =	wrdreg s24  }
0xb0: {  	[dreg:$0x3] =	wrdreg s2  }
0xb1: {  	[dreg:$0x4] =	wrdreg s18  }
0xb2: {  	[dreg:$0x5] =	wrdreg $0x110000  }
0xb3: {  	[dreg:$0x6] =	wrdreg $0x9  }
0xb4: {  	_ =	task.clear_ibuf [dreg:s8], $0x7FFFF;
	_ =	strace $0x90000046  }
0xb5: {  	s29 =	simm.s32 $0x9;
	_ =	strace $0x80000048  }
0xb6: {  	_ =	swait.ge [sflag:s29], $0x1  }
0xb7: {  	[sflag:s29] =	ssyncadd.s32 $0xFFFFFFFF  }
0xb8: {  	_ =	strace $0x90000048  }
0xb9: {  	_ =	sfence  }
0xba: {  	s30 =	sld [smem:$0x0];
	_ =	sdelay $0x2  }
0xbb: {  	s31 =	sshll.u32 s1, $0xD;
	s1 =	sshrl.u32 s1, $0x2  }
0xbc: {  	s3 =	sand.u32 $0x4000, s31;
	s1 =	sadd.s32 s1, s30  }
0xbd: {  	s0 =	sor.u32 s3, s0;
	s1 =	sshll.u32 s1, $0x11  }
0xbe: {  	s0 =	sor.u32 s1, s0  }
0xbf: {  	s0 =	sadd.s32 $0x8F2B, s0  }
0xc0: {  	[sflag:s0] =	ssyncadd.remote.s32 $0x1  }
0xc1: {  	_ =	sfence.sel $0xFFFF  }
0xc2: {  	[dreg:$0x0] =	wrdreg $0xFFFFFFFF;
	(pc) =	sbr.abs _section_cstart, $3  }
0xc3: {  	[dreg:$0x1] =	wrdreg $0xFFFFFFFF  }
0xc4: {  	_ =	task.clear_ibuf [dreg:s8], $0x2FFFF;
	_ =	strace $0x9FFFFFFF  }
0xc5: {  	(tm) =	ssettm $0x7FFFFFFF  }
tec
execute0_lowered:
.L_overlay_start_1:
0x0: {  	(tag) =	ssettag $0x1  }
0x1: {  	s4 =	rddreg [dreg:$0x0]  }
0x2: {  	s1 =	rddreg [dreg:$0x1]  }
0x3: {  	s7 =	rddreg [dreg:$0x2]  }
0x4: {  	s8 =	rddreg [dreg:$0x3]  }
0x5: {  	s2 =	srdreg.scid;
	s0 =	rddreg [dreg:$0x4];
	s3 =	simm.s32 $0x0  }
0x6: {  	s13 =	simm.s32 $0x64;
	s14 =	simm.s32 $0x4000;
	s15 =	simm.s32 $0x80  }
0x7: {  	s16 =	simm.s32 $0x7400;
	s17 =	simm.s32 $0x100;
	s18 =	simm.s32 $0xA800  }
0x8: {  	s19 =	simm.s32 $0x180;
	s20 =	simm.s32 $0xDC00;
	s21 =	simm.s32 $0x1  }
0x9: {  	s22 =	simm.s32 $0x2;
	s23 =	simm.s32 $0x3;
	s24 =	simm.s32 $0x4  }
0xa: {  	s25 =	simm.s32 $0x0;
	s5 =	sand.u32 $0x1, s2;
	[smem:$0x7FF] =	sst s3  }
0xb: {  	s2 =	stileid.u32;
	s6 =	sshll.u32 s5, $0x4;
	_ =	strace $0x80000047  }
0xc: {  	s10 =	sshll.u32 s2, $0xA;
	s5 =	ssub.s32 $0x2, s5;
	s30 =	sshll.u32 s2, $0xE  }
0xd: {  	s31 =	sshll.u32 s2, $0x6;
	s9 =	sor.u32 s2, s6;
	s10 =	sadd.s32 s10, s4  }
0xe: {  	s11 =	sshrl.u32 s5, $0x1;
	s12 =	sadd.s32 s30, s8;
	s6 =	sshll.u32 s9, $0xA  }
0xf: {  	s11 =	ssub.s32 s5, s11;
	s9 =	sshll.u32 s9, $0xB;
	s12 =	sshrl.u32 s12, $0x3  }
0x10: {  	s6 =	sadd.s32 s6, s4;
	s4 =	sadd.s32 $0xD200, s4;
	s7 =	sadd.s32 s7, s9  }
0x11: {  	s8 =	smax.u32 s11, $0x1;
	s9 =	simm.s32 $0x5;
	s11 =	sor.u32 $0x1C05, s31  }
0x12: {  	s5 =	sadd.s32 $0x1200, s6;
	s6 =	sadd.s32 $0x9200, s10;
	s10 =	simm.s32 $0x2000  }
.LBB2_1:
0x13: {  	[tilespmem:s3], [sflag:$0x5] =	stream.linear.gather [hbm4b:s5+s3], $0x2000, $0x38;
	[tilespmem:$0x15000] =	vst v63  }
0x14: {  	_ =	swait.ge [sflag:s9], $0x2000  }
0x15: {  	[sflag:s9] =	ssyncset.done $0x0  }
0x16: {  	[sflag:s9] =	ssyncadd.s32 $0xFFFFE000  }
0x17: {  	[tilespmem:s10], [sflag:$0x5] =	stream.linear.gather [hbm4b:s6+s3], $0x2000, $0x38;
	[tilespmem:$0x15000] =	vst v63  }
0x18: {  	_ =	swait.ge [sflag:s9], $0x2000  }
0x19: {  	[sflag:s9] =	ssyncset.done $0x0  }
0x1a: {  	[sflag:s9] =	ssyncadd.s32 $0xFFFFE000  }
0x1b: {  	[spmem:s12], [sflag:s11] =	dma.local [hbm:s4], $0x800  }
0x1c: {  	_ =	swait.ge [sflag:s9], $0x800  }
0x1d: {  	[sflag:s9] =	ssyncset.done $0x0  }
0x1e: {  	[sflag:s9] =	ssyncadd.s32 $0xFFFFF800  }
0x1f: {  	[tilespmem:s14], [sflag:$0x1] =	stream.indirect.gather [hbm4b:s1+s13], $0x80, s3, s13, $0xb8;
	[tilespmem:$0x15000] =	vst v63  }
0x20: {  	_ = 	snop  }
0x21: {  	[tilespmem:s16], [sflag:$0x2] =	stream.indirect.gather [hbm4b:s1+s13], $0x80, s15, s13, $0xb8;
	[tilespmem:$0x15000] =	vst v63  }
0x22: {  	_ = 	snop  }
0x23: {  	[tilespmem:s18], [sflag:$0x3] =	stream.indirect.gather [hbm4b:s1+s13], $0x80, s17, s13, $0xb8;
	[tilespmem:$0x15000] =	vst v63  }
0x24: {  	_ = 	snop  }
0x25: {  	[tilespmem:s20], [sflag:$0x4] =	stream.indirect.gather [hbm4b:s1+s13], $0x80, s19, s13, $0xb8;
	[tilespmem:$0x15000] =	vst v63  }
0x26: {  	_ =	swait.ge [sflag:s21], $0x3200  }
0x27: {  	[sflag:s21] =	ssyncset.done $0x0  }
0x28: {  	s26 =	simm.s32 $0x200;
	[sflag:s21] =	ssyncadd.s32 $0xFFFFCE00  }
0x29: {  	[tilespmem:s14], [sflag:$0x1] =	stream.indirect.gather [hbm4b:s1+s13], $0x80, s26, s13, $0xb8;
	[tilespmem:$0x15000] =	vst v63  }
0x2a: {  	_ =	swait.ge [sflag:s22], $0x3200  }
0x2b: {  	[sflag:s22] =	ssyncset.done $0x0  }
0x2c: {  	s30 =	simm.s32 $0x280;
	[sflag:s22] =	ssyncadd.s32 $0xFFFFCE00  }
0x2d: {  	[tilespmem:s16], [sflag:$0x2] =	stream.indirect.gather [hbm4b:s1+s13], $0x80, s30, s13, $0xb8;
	[tilespmem:$0x15000] =	vst v63  }
0x2e: {  	_ =	swait.ge [sflag:s23], $0x3200  }
0x2f: {  	[sflag:s23] =	ssyncset.done $0x0  }
0x30: {  	s31 =	simm.s32 $0x300;
	[sflag:s23] =	ssyncadd.s32 $0xFFFFCE00  }
0x31: {  	[tilespmem:s18], [sflag:$0x3] =	stream.indirect.gather [hbm4b:s1+s13], $0x80, s31, s13, $0xb8;
	[tilespmem:$0x15000] =	vst v63  }
0x32: {  	_ =	swait.ge [sflag:s24], $0x3200  }
0x33: {  	[sflag:s24] =	ssyncset.done $0x0  }
0x34: {  	s28 =	simm.s32 $0x380;
	s26 =	simm.s32 $0xFFFF9000;
	[sflag:s24] =	ssyncadd.s32 $0xFFFFCE00  }
.LBB2_2:
0x35: {  	[tilespmem:s20], [sflag:$0x4] =	stream.indirect.gather [hbm4b:s1+s13], $0x80, s28, s13, $0xb8;
	[tilespmem:$0x15000] =	vst v63  }
0x36: {  	s28 =	smov.u32 s26  }
0x37: {  	p0 =	sne.s32 s26, $0xFFFFF800;
	s26 =	sadd.s32 $0x800, s26;
	_ =	swait.ge [sflag:s21], $0x3200  }
0x38: {  	s28 =	sshra.s32 s28, $0x2;
	[sflag:s21] =	ssyncset.done $0x0  }
0x39: {  	s29 =	sadd.s32 $0x2000, s28;
	[sflag:s21] =	ssyncadd.s32 $0xFFFFCE00  }
0x3a: {  	[tilespmem:s14], [sflag:$0x1] =	stream.indirect.gather [hbm4b:s1+s13], $0x80, s29, s13, $0xb8;
	[tilespmem:$0x15000] =	vst v63  }
0x3b: {  	_ =	swait.ge [sflag:s22], $0x3200  }
0x3c: {  	[sflag:s22] =	ssyncset.done $0x0  }
0x3d: {  	s29 =	sadd.s32 $0x2080, s28;
	[sflag:s22] =	ssyncadd.s32 $0xFFFFCE00  }
0x3e: {  	[tilespmem:s16], [sflag:$0x2] =	stream.indirect.gather [hbm4b:s1+s13], $0x80, s29, s13, $0xb8;
	[tilespmem:$0x15000] =	vst v63  }
0x3f: {  	_ =	swait.ge [sflag:s23], $0x3200  }
0x40: {  	[sflag:s23] =	ssyncset.done $0x0  }
.Ltmp0:
0x41: {  	s29 =	sadd.s32 $0x2100, s28;
	[sflag:s23] =	ssyncadd.s32 $0xFFFFCE00;
	(pc) =	sbr.rel @p0 .LBB2_2-.Ltmp0, $4  }
0x42: {  	[tilespmem:s18], [sflag:$0x3] =	stream.indirect.gather [hbm4b:s1+s13], $0x80, s29, s13, $0xb8;
	[tilespmem:$0x15000] =	vst v63  }
0x43: {  	_ =	swait.ge [sflag:s24], $0x3200  }
0x44: {  	[sflag:s24] =	ssyncset.done $0x0  }
0x45: {  	s28 =	sadd.s32 $0x2180, s28;
	[sflag:s24] =	ssyncadd.s32 $0xFFFFCE00  }
0x46: {  	[tilespmem:s20], [sflag:$0x4] =	stream.indirect.gather [hbm4b:s1+s13], $0x80, s28, s13, $0xb8;
	[tilespmem:$0x15000] =	vst v63  }
0x47: {  	_ =	swait.ge [sflag:s21], $0x3200  }
0x48: {  	[sflag:s21] =	ssyncset.done $0x0  }
0x49: {  	[sflag:s21] =	ssyncadd.s32 $0xFFFFCE00  }
0x4a: {  	_ =	swait.ge [sflag:s22], $0x3200  }
0x4b: {  	[sflag:s22] =	ssyncset.done $0x0  }
0x4c: {  	[sflag:s22] =	ssyncadd.s32 $0xFFFFCE00  }
0x4d: {  	_ =	swait.ge [sflag:s23], $0x3200  }
0x4e: {  	[sflag:s23] =	ssyncset.done $0x0  }
0x4f: {  	[sflag:s23] =	ssyncadd.s32 $0xFFFFCE00  }
0x50: {  	s25 =	sadd.s32 $0x1, s25;
	_ =	swait.ge [sflag:s24], $0x3200  }
0x51: {  	p0 =	sne.s32 s25, s8;
	[sflag:s24] =	ssyncset.done $0x0  }
.Ltmp1:
0x52: {  	[sflag:s24] =	ssyncadd.s32 $0xFFFFCE00;
	(pc) =	sbr.rel @p0 .LBB2_1-.Ltmp1, $4  }
0x53: {  	[hbm:s7], [sflag:s11] =	dma.local [spmem:s12], $0x800  }
0x54: {  	_ =	swait.ge [sflag:s9], $0x800  }
0x55: {  	[sflag:s9] =	ssyncset.done $0x0  }
0x56: {  	[sflag:s9] =	ssyncadd.s32 $0xFFFFF800  }
0x57: {  	_ =	sfence.sel $0x180000  }
0x58: {  	[bflag:$0x0] =	sbarrier.arrive $0xFFFF  }
0x59: {  	p0 =	sne.s32 s2, $0x0;
	_ =	strace $0x90000047  }
0x5a: {  	s0 =	sadd.s32 @!p0 $0x100000, s0;
	[bflag:$0x2] =	sbarrier.arrive $0xFFFF  }
0x5b: {  	[sflag:s0] =	ssyncadd.tile.s32 @!p0 $0x1;
	_ =	shalt  }
.Lfunc_end2:
_tile_overlayer_lowered:
.L_overlay_start_2:
0x5c: {  	(tag) =	ssettag $0x2  }
0x5d: {  	s0 =	rddreg [dreg:$0x0];
	s2 =	stileid.u32  }
0x5e: {  	s1 =	rddreg [dreg:$0x1];
	p0 =	sne.s32 s2, $0x0  }
0x5f: {  	s3 =	rddreg [dreg:$0x2];
	[bflag:$0x3] =	sbarrier.arrive $0xFFFF;
	s2 =	simm.s32 @!p0 $0x1C05  }
0x60: {  	[timem:s3], [sflag:s2] =	dma.local @!p0 [hbm:s0], s1  }
0x61: {  	s0 =	simm.s32 @!p0 $0x5  }
0x62: {  	_ =	swait.ge @!p0 [sflag:s0], s1  }
0x63: {  	s1 =	ssub.s32 @!p0 $0x0, s1;
	[sflag:s0] =	ssyncset.done @!p0 $0x0  }
0x64: {  	[sflag:s0] =	ssyncadd.s32 @!p0 s1  }
0x65: {  	[bflag:$0x3] =	sbarrier.arrive $0xFFFF  }
0x66: {  	_ =	shalt  }

</sc_bundles>
